<compile_context>
chip_gen: v7x
topology: tpu7x:2x2x1
jax: 0.10.2.dev20260603
libtpu: 0.0.44.dev20260713+nightly
codegen_flags: <defaults>
</compile_context>

<pallas_src>
import functools

import jax
import jax.numpy as jnp
from jax import lax
from jax.experimental import pallas as pl
from jax.experimental.pallas import tpu as pltpu
from jax.experimental.pallas import tpu_sc as plsc

BATCH = 4096
SEQ = 200
D = 128
NC = 2
NS = 16
NW = NC * NS
B_PER_W = BATCH // NW
LANES = 16
SEQ_A = 128
SEQ_B = SEQ - SEQ_A


def _pool_body(tok_a, tok_b, tab, out, idx_a, idx_b, rows0, rows1, pooled,
               sem0, sem1):
    wid = lax.axis_index("s") * NC + lax.axis_index("c")
    base = wid * B_PER_W

    pltpu.sync_copy(tok_a.at[pl.ds(base, B_PER_W)], idx_a)
    pltpu.sync_copy(tok_b.at[pl.ds(base, B_PER_W)], idx_b)

    def _gather(i, buf, sem):
        return (
            pltpu.make_async_copy(tab.at[idx_a.at[i]],
                                  buf.at[pl.ds(0, SEQ_A)], sem),
            pltpu.make_async_copy(tab.at[idx_b.at[i]],
                                  buf.at[pl.ds(SEQ_A, SEQ_B)], sem),
        )

    def issue(i, buf, sem):
        ca, cb = _gather(i, buf, sem)
        ca.start()
        cb.start()

    def drain(i, buf, sem):
        ca, cb = _gather(i, buf, sem)
        ca.wait()
        cb.wait()

    def accum(i, buf):
        def seq_body(s, accs):
            return tuple(
                accs[d] + buf[s, pl.ds(LANES * d, LANES)]
                for d in range(D // LANES)
            )

        accs = lax.fori_loop(
            0, SEQ // 2, seq_body,
            tuple(jnp.zeros((LANES,), jnp.float32) for _ in range(D // LANES)),
        )
        for d in range(D // LANES):
            pooled[i, pl.ds(LANES * d, LANES)] = accs[d] * (1.0 / SEQ)

    issue(0, rows0, sem0)

    def pair_body(p, carry):
        i = 2 * p
        issue(i + 1, rows1, sem1)
        drain(i, rows0, sem0)
        accum(i, rows0)

        @pl.when(p < B_PER_W // 2 - 1)
        def _():
            issue(i + 2, rows0, sem0)

        drain(i + 1, rows1, sem1)
        accum(i + 1, rows1)
        return carry

    lax.fori_loop(0, B_PER_W // 2, pair_body, 0)
    pltpu.sync_copy(pooled, out.at[pl.ds(base, B_PER_W)])


_pool = pl.kernel(
    _pool_body,
    out_type=jax.ShapeDtypeStruct((BATCH, D), jnp.float32),
    mesh=plsc.VectorSubcoreMesh(core_axis_name="c", subcore_axis_name="s"),
    scratch_types=[
        pltpu.VMEM((B_PER_W, SEQ_A), jnp.int32),
        pltpu.VMEM((B_PER_W, SEQ_B), jnp.int32),
        pltpu.VMEM((SEQ, D), jnp.float32),
        pltpu.VMEM((SEQ, D), jnp.float32),
        pltpu.VMEM((B_PER_W, D), jnp.float32),
        pltpu.SemaphoreType.DMA,
        pltpu.SemaphoreType.DMA,
    ],
)


def _proj_body(p_ref, w_ref, b_ref, o_ref):
    o_ref[:] = (
        lax.dot_general(
            p_ref[:], w_ref[:],
            (((1,), (1,)), ((), ())),
            preferred_element_type=jnp.float32,
        )
        + b_ref[:]
    )


_proj = pl.pallas_call(
    _proj_body,
    out_shape=jax.ShapeDtypeStruct((BATCH, D), jnp.float32),
)


@jax.jit
def kernel(token_ids, embedding, W, b):
    token_ids = token_ids.astype(jnp.int32)
    tok_a = token_ids[:, :SEQ_A]
    tok_b = token_ids[:, SEQ_A:]
    pooled = _pool(tok_a, tok_b, embedding)
    return _proj(pooled, W, b.reshape(1, D))

# --- scband reference (transcript-rebuilt; emitter-appended) ---
"""Pipeline reference for scband-text-encoder-50732153700508 (READ-ONLY COPY).

The authoritative reference and input builder live on the scoring server;
editing this copy changes nothing except your own understanding.
"""

import jax, jax.numpy as jnp
import numpy as np

VOCAB = 1000000
EMBED_DIM = 128
OUTPUT_DIM = 128
BATCH = 4096
SEQ = 200


def setup_inputs(seed: int = 0) -> dict:
    key = jax.random.key(seed)
    k1, k2, k3, k4 = jax.random.split(key, 4)
    token_ids = jax.random.randint(k1, (BATCH, SEQ), 0, VOCAB, dtype=jnp.int64 if jax.config.jax_enable_x64 else jnp.int32)
    embedding = jax.random.normal(k2, (VOCAB, EMBED_DIM), dtype=jnp.float32)
    W = jax.random.normal(k3, (OUTPUT_DIM, EMBED_DIM), dtype=jnp.float32) * (1.0 / np.sqrt(EMBED_DIM))
    b = jax.random.normal(k4, (OUTPUT_DIM,), dtype=jnp.float32) * 0.01
    return {"token_ids": token_ids, "embedding": embedding, "W": W, "b": b}


def reference(token_ids, embedding, W, b):
    # emb = self.embedding(token_ids)  -> gather rows
    emb = jnp.take(embedding, token_ids, axis=0)  # [B, S, D]
    # pooled = emb.mean(dim=1)
    pooled = jnp.mean(emb, axis=1)  # [B, D]
    # out = self.proj(pooled)  (nn.Linear: x @ W.T + b)
    out = pooled @ W.T + b  # [B, OUTPUT_DIM]
    return out

if __name__ == "__main__":
    import jax
    _d = setup_inputs()
    print(jax.jit(kernel)(*tuple(_d.values())))

</pallas_src>

<mosaic_0001>
#map = affine_map<(d0, d1) -> (0, 0)>
module attributes {stable_mosaic.version = 14 : i64} {
  func.func @_pool_body(%arg0: i32, %arg1: i32, %arg2: memref<4096x128xi32, #tpu.memory_space<hbm>>, %arg3: memref<4096x72xi32, #tpu.memory_space<hbm>>, %arg4: memref<1000000x128xf32, #tpu.memory_space<hbm>>, %arg5: memref<4096x128xf32, #tpu.memory_space<hbm>>, %arg6: memref<128x128xi32, #tpu.memory_space<vmem>>, %arg7: memref<128x72xi32, #tpu.memory_space<vmem>>, %arg8: memref<200x128xf32, #tpu.memory_space<vmem>>, %arg9: memref<200x128xf32, #tpu.memory_space<vmem>>, %arg10: memref<128x128xf32, #tpu.memory_space<vmem>>, %arg11: memref<!tpu.dma_semaphore, #tpu.memory_space<semaphore_mem>>, %arg12: memref<!tpu.dma_semaphore, #tpu.memory_space<semaphore_mem>>) attributes {dimension_semantics = [#tpu.dimension_semantics<core_parallel>, #tpu.dimension_semantics<subcore_parallel>], iteration_bounds = array<i64: 2, 16>, scalar_prefetch = 0 : i64, scratch_operands = 7 : i64, tpu.core_type = #tpu.core_type<sc_vector_subcore>, window_params = [{transform_indices = #map}, {transform_indices = #map}, {transform_indices = #map}, {transform_indices = #map}]} {
    %mul3A = arith.constant 2 : i32
    %mul3A_0 = arith.muli %arg1, %mul3A : i32
    %add3A = arith.addi %mul3A_0, %arg0 : i32
    %mul3A_1 = arith.constant 128 : i32
    %mul3A_2 = arith.muli %add3A, %mul3A_1 : i32
    "tpu.region"() ({
      %run_scoped3A = tpu.sem_alloc : memref<!tpu.dma_semaphore, #tpu.memory_space<semaphore_mem>>
      %dma_start3A_27 = arith.constant 0 : i32
      %dma_start3A_28 = tpu.memref_slice %arg2[%mul3A_2, %dma_start3A_27] : memref<4096x128xi32, #tpu.memory_space<hbm>> -> memref<128x128xi32, #tpu.memory_space<hbm>>
      %dma_start3A_29 = arith.constant 0 : i32
      %dma_start3A_30 = tpu.memref_slice %arg2[%mul3A_2, %dma_start3A_29] : memref<4096x128xi32, #tpu.memory_space<hbm>> -> memref<128x128xi32, #tpu.memory_space<hbm>>
      tpu.enqueue_dma source(%dma_start3A_30 : memref<128x128xi32, #tpu.memory_space<hbm>>) target(%arg6 : memref<128x128xi32, #tpu.memory_space<vmem>>) target_semaphore(%run_scoped3A : memref<!tpu.dma_semaphore, #tpu.memory_space<semaphore_mem>>)
      %dma_wait3A = arith.constant 0 : i32
      %dma_wait3A_31 = tpu.memref_slice %arg2[%mul3A_2, %dma_wait3A] : memref<4096x128xi32, #tpu.memory_space<hbm>> -> memref<128x128xi32, #tpu.memory_space<hbm>>
      %dma_wait3A_32 = arith.constant 0 : i32
      %dma_wait3A_33 = tpu.memref_slice %arg2[%mul3A_2, %dma_wait3A_32] : memref<4096x128xi32, #tpu.memory_space<hbm>> -> memref<128x128xi32, #tpu.memory_space<hbm>>
      tpu.wait_dma2 semaphore(%run_scoped3A : memref<!tpu.dma_semaphore, #tpu.memory_space<semaphore_mem>>) src(%dma_wait3A_33 : memref<128x128xi32, #tpu.memory_space<hbm>>) dst(%arg6 : memref<128x128xi32, #tpu.memory_space<vmem>>)
      tpu.yield
    }) : () -> ()
    "tpu.region"() ({
      %run_scoped3A = tpu.sem_alloc : memref<!tpu.dma_semaphore, #tpu.memory_space<semaphore_mem>>
      %dma_start3A_27 = arith.constant 0 : i32
      %dma_start3A_28 = tpu.memref_slice %arg3[%mul3A_2, %dma_start3A_27] : memref<4096x72xi32, #tpu.memory_space<hbm>> -> memref<128x72xi32, #tpu.memory_space<hbm>>
      %dma_start3A_29 = arith.constant 0 : i32
      %dma_start3A_30 = tpu.memref_slice %arg3[%mul3A_2, %dma_start3A_29] : memref<4096x72xi32, #tpu.memory_space<hbm>> -> memref<128x72xi32, #tpu.memory_space<hbm>>
      tpu.enqueue_dma source(%dma_start3A_30 : memref<128x72xi32, #tpu.memory_space<hbm>>) target(%arg7 : memref<128x72xi32, #tpu.memory_space<vmem>>) target_semaphore(%run_scoped3A : memref<!tpu.dma_semaphore, #tpu.memory_space<semaphore_mem>>)
      %dma_wait3A = arith.constant 0 : i32
      %dma_wait3A_31 = tpu.memref_slice %arg3[%mul3A_2, %dma_wait3A] : memref<4096x72xi32, #tpu.memory_space<hbm>> -> memref<128x72xi32, #tpu.memory_space<hbm>>
      %dma_wait3A_32 = arith.constant 0 : i32
      %dma_wait3A_33 = tpu.memref_slice %arg3[%mul3A_2, %dma_wait3A_32] : memref<4096x72xi32, #tpu.memory_space<hbm>> -> memref<128x72xi32, #tpu.memory_space<hbm>>
      tpu.wait_dma2 semaphore(%run_scoped3A : memref<!tpu.dma_semaphore, #tpu.memory_space<semaphore_mem>>) src(%dma_wait3A_33 : memref<128x72xi32, #tpu.memory_space<hbm>>) dst(%arg7 : memref<128x72xi32, #tpu.memory_space<vmem>>)
      tpu.yield
    }) : () -> ()
    %dma_start3A = arith.constant 0 : i32
    %dma_start3A_3 = arith.constant 0 : i32
    %dma_start3A_4 = arith.constant 0 : i32
    %dma_start3A_5 = tpu.memref_slice %arg8[%dma_start3A_3, %dma_start3A_4] : memref<200x128xf32, #tpu.memory_space<vmem>> -> memref<128x128xf32, #tpu.memory_space<vmem>>
    %dma_start3A_6 = arith.constant 0 : i32
    %dma_start3A_7 = tpu.memref_slice %arg6[%dma_start3A, %dma_start3A_6] : memref<128x128xi32, #tpu.memory_space<vmem>> -> memref<1x128xi32, #tpu.memory_space<vmem>>
    %dma_start3A_8 = tpu.memref_squeeze %dma_start3A_7 : memref<1x128xi32, #tpu.memory_space<vmem>> -> memref<128xi32, #tpu.memory_space<vmem>>
    %dma_start3A_9 = arith.constant 0 : i32
    %dma_start3A_10 = arith.constant 0 : i32
    %dma_start3A_11 = tpu.memref_slice %arg4[%dma_start3A_9, %dma_start3A_10] : memref<1000000x128xf32, #tpu.memory_space<hbm>> -> memref<1000000x128xf32, #tpu.memory_space<hbm>>
    tpu.enqueue_indirect_dma source(%dma_start3A_11 : memref<1000000x128xf32, #tpu.memory_space<hbm>>) target(%dma_start3A_5 : memref<128x128xf32, #tpu.memory_space<vmem>>) offsets(%dma_start3A_8 : memref<128xi32, #tpu.memory_space<vmem>>) semaphore(%arg11 : memref<!tpu.dma_semaphore, #tpu.memory_space<semaphore_mem>>)
    %dma_start3A_12 = arith.constant 0 : i32
    %dma_start3A_13 = arith.constant 128 : i32
    %dma_start3A_14 = arith.constant 0 : i32
    %dma_start3A_15 = tpu.memref_slice %arg8[%dma_start3A_13, %dma_start3A_14] : memref<200x128xf32, #tpu.memory_space<vmem>> -> memref<72x128xf32, #tpu.memory_space<vmem>>
    %dma_start3A_16 = arith.constant 0 : i32
    %dma_start3A_17 = tpu.memref_slice %arg7[%dma_start3A_12, %dma_start3A_16] : memref<128x72xi32, #tpu.memory_space<vmem>> -> memref<1x72xi32, #tpu.memory_space<vmem>>
    %dma_start3A_18 = tpu.memref_squeeze %dma_start3A_17 : memref<1x72xi32, #tpu.memory_space<vmem>> -> memref<72xi32, #tpu.memory_space<vmem>>
    %dma_start3A_19 = arith.constant 0 : i32
    %dma_start3A_20 = arith.constant 0 : i32
    %dma_start3A_21 = tpu.memref_slice %arg4[%dma_start3A_19, %dma_start3A_20] : memref<1000000x128xf32, #tpu.memory_space<hbm>> -> memref<1000000x128xf32, #tpu.memory_space<hbm>>
    tpu.enqueue_indirect_dma source(%dma_start3A_21 : memref<1000000x128xf32, #tpu.memory_space<hbm>>) target(%dma_start3A_15 : memref<72x128xf32, #tpu.memory_space<vmem>>) offsets(%dma_start3A_18 : memref<72xi32, #tpu.memory_space<vmem>>) semaphore(%arg11 : memref<!tpu.dma_semaphore, #tpu.memory_space<semaphore_mem>>)
    %scan3A = arith.constant 0 : i32
    %scan3A_22 = arith.constant 0 : i32
    %scan3A_23 = arith.constant 64 : i32
    %scan3A_24 = arith.addi %scan3A_22, %scan3A_23 : i32
    %scan3A_25 = arith.constant 1 : i32
    scf.for %scan3A_27 = %scan3A_22 to %scan3A_24 step %scan3A_25  : i32 {
      %mul3A_28 = arith.constant 2 : i32
      %mul3A_29 = arith.muli %mul3A_28, %scan3A_27 : i32
      %add3A_30 = arith.constant 1 : i32
      %add3A_31 = arith.addi %mul3A_29, %add3A_30 : i32
      %dma_start3A_32 = arith.constant 0 : i32
      %dma_start3A_33 = arith.constant 0 : i32
      %dma_start3A_34 = tpu.memref_slice %arg9[%dma_start3A_32, %dma_start3A_33] : memref<200x128xf32, #tpu.memory_space<vmem>> -> memref<128x128xf32, #tpu.memory_space<vmem>>
      %dma_start3A_35 = arith.constant 0 : i32
      %dma_start3A_36 = tpu.memref_slice %arg6[%add3A_31, %dma_start3A_35] : memref<128x128xi32, #tpu.memory_space<vmem>> -> memref<1x128xi32, #tpu.memory_space<vmem>>
      %dma_start3A_37 = tpu.memref_squeeze %dma_start3A_36 : memref<1x128xi32, #tpu.memory_space<vmem>> -> memref<128xi32, #tpu.memory_space<vmem>>
      %dma_start3A_38 = arith.constant 0 : i32
      %dma_start3A_39 = arith.constant 0 : i32
      %dma_start3A_40 = tpu.memref_slice %arg4[%dma_start3A_38, %dma_start3A_39] : memref<1000000x128xf32, #tpu.memory_space<hbm>> -> memref<1000000x128xf32, #tpu.memory_space<hbm>>
      tpu.enqueue_indirect_dma source(%dma_start3A_40 : memref<1000000x128xf32, #tpu.memory_space<hbm>>) target(%dma_start3A_34 : memref<128x128xf32, #tpu.memory_space<vmem>>) offsets(%dma_start3A_37 : memref<128xi32, #tpu.memory_space<vmem>>) semaphore(%arg12 : memref<!tpu.dma_semaphore, #tpu.memory_space<semaphore_mem>>)
      %dma_start3A_41 = arith.constant 128 : i32
      %dma_start3A_42 = arith.constant 0 : i32
      %dma_start3A_43 = tpu.memref_slice %arg9[%dma_start3A_41, %dma_start3A_42] : memref<200x128xf32, #tpu.memory_space<vmem>> -> memref<72x128xf32, #tpu.memory_space<vmem>>
      %dma_start3A_44 = arith.constant 0 : i32
      %dma_start3A_45 = tpu.memref_slice %arg7[%add3A_31, %dma_start3A_44] : memref<128x72xi32, #tpu.memory_space<vmem>> -> memref<1x72xi32, #tpu.memory_space<vmem>>
      %dma_start3A_46 = tpu.memref_squeeze %dma_start3A_45 : memref<1x72xi32, #tpu.memory_space<vmem>> -> memref<72xi32, #tpu.memory_space<vmem>>
      %dma_start3A_47 = arith.constant 0 : i32
      %dma_start3A_48 = arith.constant 0 : i32
      %dma_start3A_49 = tpu.memref_slice %arg4[%dma_start3A_47, %dma_start3A_48] : memref<1000000x128xf32, #tpu.memory_space<hbm>> -> memref<1000000x128xf32, #tpu.memory_space<hbm>>
      tpu.enqueue_indirect_dma source(%dma_start3A_49 : memref<1000000x128xf32, #tpu.memory_space<hbm>>) target(%dma_start3A_43 : memref<72x128xf32, #tpu.memory_space<vmem>>) offsets(%dma_start3A_46 : memref<72xi32, #tpu.memory_space<vmem>>) semaphore(%arg12 : memref<!tpu.dma_semaphore, #tpu.memory_space<semaphore_mem>>)
      %dma_wait3A = arith.constant 0 : i32
      %dma_wait3A_50 = arith.constant 0 : i32
      %dma_wait3A_51 = tpu.memref_slice %arg8[%dma_wait3A, %dma_wait3A_50] : memref<200x128xf32, #tpu.memory_space<vmem>> -> memref<128x128xf32, #tpu.memory_space<vmem>>
      %dma_wait3A_52 = arith.constant 0 : i32
      %dma_wait3A_53 = tpu.memref_slice %arg6[%mul3A_29, %dma_wait3A_52] : memref<128x128xi32, #tpu.memory_space<vmem>> -> memref<1x128xi32, #tpu.memory_space<vmem>>
      %dma_wait3A_54 = tpu.memref_squeeze %dma_wait3A_53 : memref<1x128xi32, #tpu.memory_space<vmem>> -> memref<128xi32, #tpu.memory_space<vmem>>
      %dma_wait3A_55 = arith.constant 0 : i32
      %dma_wait3A_56 = arith.constant 0 : i32
      %dma_wait3A_57 = tpu.memref_slice %arg4[%dma_wait3A_55, %dma_wait3A_56] : memref<1000000x128xf32, #tpu.memory_space<hbm>> -> memref<1000000x128xf32, #tpu.memory_space<hbm>>
      tpu.wait_indirect_dma semaphore(%arg11 : memref<!tpu.dma_semaphore, #tpu.memory_space<semaphore_mem>>) src(%dma_wait3A_57 : memref<1000000x128xf32, #tpu.memory_space<hbm>>) dst(%dma_wait3A_51 : memref<128x128xf32, #tpu.memory_space<vmem>>)
      %dma_wait3A_58 = arith.constant 128 : i32
      %dma_wait3A_59 = arith.constant 0 : i32
      %dma_wait3A_60 = tpu.memref_slice %arg8[%dma_wait3A_58, %dma_wait3A_59] : memref<200x128xf32, #tpu.memory_space<vmem>> -> memref<72x128xf32, #tpu.memory_space<vmem>>
      %dma_wait3A_61 = arith.constant 0 : i32
      %dma_wait3A_62 = tpu.memref_slice %arg7[%mul3A_29, %dma_wait3A_61] : memref<128x72xi32, #tpu.memory_space<vmem>> -> memref<1x72xi32, #tpu.memory_space<vmem>>
      %dma_wait3A_63 = tpu.memref_squeeze %dma_wait3A_62 : memref<1x72xi32, #tpu.memory_space<vmem>> -> memref<72xi32, #tpu.memory_space<vmem>>
      %dma_wait3A_64 = arith.constant 0 : i32
      %dma_wait3A_65 = arith.constant 0 : i32
      %dma_wait3A_66 = tpu.memref_slice %arg4[%dma_wait3A_64, %dma_wait3A_65] : memref<1000000x128xf32, #tpu.memory_space<hbm>> -> memref<1000000x128xf32, #tpu.memory_space<hbm>>
      tpu.wait_indirect_dma semaphore(%arg11 : memref<!tpu.dma_semaphore, #tpu.memory_space<semaphore_mem>>) src(%dma_wait3A_66 : memref<1000000x128xf32, #tpu.memory_space<hbm>>) dst(%dma_wait3A_60 : memref<72x128xf32, #tpu.memory_space<vmem>>)
      %broadcast_in_dim3A = arith.constant 0.000000e+00 : f32
      %broadcast_in_dim3A_67 = vector.broadcast %broadcast_in_dim3A : f32 to vector<16xf32>
      %broadcast_in_dim3A_68 = arith.constant 0.000000e+00 : f32
      %broadcast_in_dim3A_69 = vector.broadcast %broadcast_in_dim3A_68 : f32 to vector<16xf32>
      %broadcast_in_dim3A_70 = arith.constant 0.000000e+00 : f32
      %broadcast_in_dim3A_71 = vector.broadcast %broadcast_in_dim3A_70 : f32 to vector<16xf32>
      %broadcast_in_dim3A_72 = arith.constant 0.000000e+00 : f32
      %broadcast_in_dim3A_73 = vector.broadcast %broadcast_in_dim3A_72 : f32 to vector<16xf32>
      %broadcast_in_dim3A_74 = arith.constant 0.000000e+00 : f32
      %broadcast_in_dim3A_75 = vector.broadcast %broadcast_in_dim3A_74 : f32 to vector<16xf32>
      %broadcast_in_dim3A_76 = arith.constant 0.000000e+00 : f32
      %broadcast_in_dim3A_77 = vector.broadcast %broadcast_in_dim3A_76 : f32 to vector<16xf32>
      %broadcast_in_dim3A_78 = arith.constant 0.000000e+00 : f32
      %broadcast_in_dim3A_79 = vector.broadcast %broadcast_in_dim3A_78 : f32 to vector<16xf32>
      %broadcast_in_dim3A_80 = arith.constant 0.000000e+00 : f32
      %broadcast_in_dim3A_81 = vector.broadcast %broadcast_in_dim3A_80 : f32 to vector<16xf32>
      %scan3A_82 = arith.constant 0 : i32
      %scan3A_83 = arith.constant 100 : i32
      %scan3A_84 = arith.addi %scan3A_82, %scan3A_83 : i32
      %scan3A_85 = arith.constant 1 : i32
      %scan3A_86:8 = scf.for %scan3A_261 = %scan3A_82 to %scan3A_84 step %scan3A_85 iter_args(%scan3A_262 = %broadcast_in_dim3A_67, %scan3A_263 = %broadcast_in_dim3A_69, %scan3A_264 = %broadcast_in_dim3A_71, %scan3A_265 = %broadcast_in_dim3A_73, %scan3A_266 = %broadcast_in_dim3A_75, %scan3A_267 = %broadcast_in_dim3A_77, %scan3A_268 = %broadcast_in_dim3A_79, %scan3A_269 = %broadcast_in_dim3A_81) -> (vector<16xf32>, vector<16xf32>, vector<16xf32>, vector<16xf32>, vector<16xf32>, vector<16xf32>, vector<16xf32>, vector<16xf32>)  : i32 {
        %get3A = arith.index_cast %scan3A_261 : i32 to index
        %get3A_270 = arith.constant 0 : index
        %get3A_271 = tpu.vector_load %arg8[%get3A, %get3A_270] {strides = array<i32>} : memref<200x128xf32, #tpu.memory_space<vmem>>, vector<1x16xf32>,
        %get3A_272 = vector.shape_cast %get3A_271 : vector<1x16xf32> to vector<16xf32>
        %add3A_273 = arith.addf %scan3A_262, %get3A_272 : vector<16xf32>
        %get3A_274 = arith.index_cast %scan3A_261 : i32 to index
        %get3A_275 = arith.constant 16 : index
        %get3A_276 = tpu.vector_load %arg8[%get3A_274, %get3A_275] {strides = array<i32>} : memref<200x128xf32, #tpu.memory_space<vmem>>, vector<1x16xf32>,
        %get3A_277 = vector.shape_cast %get3A_276 : vector<1x16xf32> to vector<16xf32>
        %add3A_278 = arith.addf %scan3A_263, %get3A_277 : vector<16xf32>
        %get3A_279 = arith.index_cast %scan3A_261 : i32 to index
        %get3A_280 = arith.constant 32 : index
        %get3A_281 = tpu.vector_load %arg8[%get3A_279, %get3A_280] {strides = array<i32>} : memref<200x128xf32, #tpu.memory_space<vmem>>, vector<1x16xf32>,
        %get3A_282 = vector.shape_cast %get3A_281 : vector<1x16xf32> to vector<16xf32>
        %add3A_283 = arith.addf %scan3A_264, %get3A_282 : vector<16xf32>
        %get3A_284 = arith.index_cast %scan3A_261 : i32 to index
        %get3A_285 = arith.constant 48 : index
        %get3A_286 = tpu.vector_load %arg8[%get3A_284, %get3A_285] {strides = array<i32>} : memref<200x128xf32, #tpu.memory_space<vmem>>, vector<1x16xf32>,
        %get3A_287 = vector.shape_cast %get3A_286 : vector<1x16xf32> to vector<16xf32>
        %add3A_288 = arith.addf %scan3A_265, %get3A_287 : vector<16xf32>
        %get3A_289 = arith.index_cast %scan3A_261 : i32 to index
        %get3A_290 = arith.constant 64 : index
        %get3A_291 = tpu.vector_load %arg8[%get3A_289, %get3A_290] {strides = array<i32>} : memref<200x128xf32, #tpu.memory_space<vmem>>, vector<1x16xf32>,
        %get3A_292 = vector.shape_cast %get3A_291 : vector<1x16xf32> to vector<16xf32>
        %add3A_293 = arith.addf %scan3A_266, %get3A_292 : vector<16xf32>
        %get3A_294 = arith.index_cast %scan3A_261 : i32 to index
        %get3A_295 = arith.constant 80 : index
        %get3A_296 = tpu.vector_load %arg8[%get3A_294, %get3A_295] {strides = array<i32>} : memref<200x128xf32, #tpu.memory_space<vmem>>, vector<1x16xf32>,
        %get3A_297 = vector.shape_cast %get3A_296 : vector<1x16xf32> to vector<16xf32>
        %add3A_298 = arith.addf %scan3A_267, %get3A_297 : vector<16xf32>
        %get3A_299 = arith.index_cast %scan3A_261 : i32 to index
        %get3A_300 = arith.constant 96 : index
        %get3A_301 = tpu.vector_load %arg8[%get3A_299, %get3A_300] {strides = array<i32>} : memref<200x128xf32, #tpu.memory_space<vmem>>, vector<1x16xf32>,
        %get3A_302 = vector.shape_cast %get3A_301 : vector<1x16xf32> to vector<16xf32>
        %add3A_303 = arith.addf %scan3A_268, %get3A_302 : vector<16xf32>
        %get3A_304 = arith.index_cast %scan3A_261 : i32 to index
        %get3A_305 = arith.constant 112 : index
        %get3A_306 = tpu.vector_load %arg8[%get3A_304, %get3A_305] {strides = array<i32>} : memref<200x128xf32, #tpu.memory_space<vmem>>, vector<1x16xf32>,
        %get3A_307 = vector.shape_cast %get3A_306 : vector<1x16xf32> to vector<16xf32>
        %add3A_308 = arith.addf %scan3A_269, %get3A_307 : vector<16xf32>
        scf.yield %add3A_273, %add3A_278, %add3A_283, %add3A_288, %add3A_293, %add3A_298, %add3A_303, %add3A_308 : vector<16xf32>, vector<16xf32>, vector<16xf32>, vector<16xf32>, vector<16xf32>, vector<16xf32>, vector<16xf32>, vector<16xf32>
      }
      %scan3A_87 = arith.constant 100 : i32
      %mul3A_88 = arith.constant 5.000000e-03 : f32
      %mul3A_89 = vector.broadcast %mul3A_88 : f32 to vector<16xf32>
      %mul3A_90 = arith.mulf %scan3A_86#0, %mul3A_89 : vector<16xf32>
      %swap3A = arith.index_cast %mul3A_29 : i32 to index
      %swap3A_91 = arith.constant 0 : index
      %swap3A_92 = tpu.vector_load %arg10[%swap3A, %swap3A_91] {strides = array<i32>} : memref<128x128xf32, #tpu.memory_space<vmem>>, vector<1x16xf32>,
      %swap3A_93 = vector.shape_cast %swap3A_92 : vector<1x16xf32> to vector<16xf32>
      %swap3A_94 = vector.shape_cast %mul3A_90 : vector<16xf32> to vector<1x16xf32>
      tpu.vector_store %arg10[%swap3A, %swap3A_91], %swap3A_94 {strides = array<i32>} : memref<128x128xf32, #tpu.memory_space<vmem>>, vector<1x16xf32>,
      %mul3A_95 = arith.constant 5.000000e-03 : f32
      %mul3A_96 = vector.broadcast %mul3A_95 : f32 to vector<16xf32>
      %mul3A_97 = arith.mulf %scan3A_86#1, %mul3A_96 : vector<16xf32>
      %swap3A_98 = arith.index_cast %mul3A_29 : i32 to index
      %swap3A_99 = arith.constant 16 : index
      %swap3A_100 = tpu.vector_load %arg10[%swap3A_98, %swap3A_99] {strides = array<i32>} : memref<128x128xf32, #tpu.memory_space<vmem>>, vector<1x16xf32>,
      %swap3A_101 = vector.shape_cast %swap3A_100 : vector<1x16xf32> to vector<16xf32>
      %swap3A_102 = vector.shape_cast %mul3A_97 : vector<16xf32> to vector<1x16xf32>
      tpu.vector_store %arg10[%swap3A_98, %swap3A_99], %swap3A_102 {strides = array<i32>} : memref<128x128xf32, #tpu.memory_space<vmem>>, vector<1x16xf32>,
      %mul3A_103 = arith.constant 5.000000e-03 : f32
      %mul3A_104 = vector.broadcast %mul3A_103 : f32 to vector<16xf32>
      %mul3A_105 = arith.mulf %scan3A_86#2, %mul3A_104 : vector<16xf32>
      %swap3A_106 = arith.index_cast %mul3A_29 : i32 to index
      %swap3A_107 = arith.constant 32 : index
      %swap3A_108 = tpu.vector_load %arg10[%swap3A_106, %swap3A_107] {strides = array<i32>} : memref<128x128xf32, #tpu.memory_space<vmem>>, vector<1x16xf32>,
      %swap3A_109 = vector.shape_cast %swap3A_108 : vector<1x16xf32> to vector<16xf32>
      %swap3A_110 = vector.shape_cast %mul3A_105 : vector<16xf32> to vector<1x16xf32>
      tpu.vector_store %arg10[%swap3A_106, %swap3A_107], %swap3A_110 {strides = array<i32>} : memref<128x128xf32, #tpu.memory_space<vmem>>, vector<1x16xf32>,
      %mul3A_111 = arith.constant 5.000000e-03 : f32
      %mul3A_112 = vector.broadcast %mul3A_111 : f32 to vector<16xf32>
      %mul3A_113 = arith.mulf %scan3A_86#3, %mul3A_112 : vector<16xf32>
      %swap3A_114 = arith.index_cast %mul3A_29 : i32 to index
      %swap3A_115 = arith.constant 48 : index
      %swap3A_116 = tpu.vector_load %arg10[%swap3A_114, %swap3A_115] {strides = array<i32>} : memref<128x128xf32, #tpu.memory_space<vmem>>, vector<1x16xf32>,
      %swap3A_117 = vector.shape_cast %swap3A_116 : vector<1x16xf32> to vector<16xf32>
      %swap3A_118 = vector.shape_cast %mul3A_113 : vector<16xf32> to vector<1x16xf32>
      tpu.vector_store %arg10[%swap3A_114, %swap3A_115], %swap3A_118 {strides = array<i32>} : memref<128x128xf32, #tpu.memory_space<vmem>>, vector<1x16xf32>,
      %mul3A_119 = arith.constant 5.000000e-03 : f32
      %mul3A_120 = vector.broadcast %mul3A_119 : f32 to vector<16xf32>
      %mul3A_121 = arith.mulf %scan3A_86#4, %mul3A_120 : vector<16xf32>
      %swap3A_122 = arith.index_cast %mul3A_29 : i32 to index
      %swap3A_123 = arith.constant 64 : index
      %swap3A_124 = tpu.vector_load %arg10[%swap3A_122, %swap3A_123] {strides = array<i32>} : memref<128x128xf32, #tpu.memory_space<vmem>>, vector<1x16xf32>,
      %swap3A_125 = vector.shape_cast %swap3A_124 : vector<1x16xf32> to vector<16xf32>
      %swap3A_126 = vector.shape_cast %mul3A_121 : vector<16xf32> to vector<1x16xf32>
      tpu.vector_store %arg10[%swap3A_122, %swap3A_123], %swap3A_126 {strides = array<i32>} : memref<128x128xf32, #tpu.memory_space<vmem>>, vector<1x16xf32>,
      %mul3A_127 = arith.constant 5.000000e-03 : f32
      %mul3A_128 = vector.broadcast %mul3A_127 : f32 to vector<16xf32>
      %mul3A_129 = arith.mulf %scan3A_86#5, %mul3A_128 : vector<16xf32>
      %swap3A_130 = arith.index_cast %mul3A_29 : i32 to index
      %swap3A_131 = arith.constant 80 : index
      %swap3A_132 = tpu.vector_load %arg10[%swap3A_130, %swap3A_131] {strides = array<i32>} : memref<128x128xf32, #tpu.memory_space<vmem>>, vector<1x16xf32>,
      %swap3A_133 = vector.shape_cast %swap3A_132 : vector<1x16xf32> to vector<16xf32>
      %swap3A_134 = vector.shape_cast %mul3A_129 : vector<16xf32> to vector<1x16xf32>
      tpu.vector_store %arg10[%swap3A_130, %swap3A_131], %swap3A_134 {strides = array<i32>} : memref<128x128xf32, #tpu.memory_space<vmem>>, vector<1x16xf32>,
      %mul3A_135 = arith.constant 5.000000e-03 : f32
      %mul3A_136 = vector.broadcast %mul3A_135 : f32 to vector<16xf32>
      %mul3A_137 = arith.mulf %scan3A_86#6, %mul3A_136 : vector<16xf32>
      %swap3A_138 = arith.index_cast %mul3A_29 : i32 to index
      %swap3A_139 = arith.constant 96 : index
      %swap3A_140 = tpu.vector_load %arg10[%swap3A_138, %swap3A_139] {strides = array<i32>} : memref<128x128xf32, #tpu.memory_space<vmem>>, vector<1x16xf32>,
      %swap3A_141 = vector.shape_cast %swap3A_140 : vector<1x16xf32> to vector<16xf32>
      %swap3A_142 = vector.shape_cast %mul3A_137 : vector<16xf32> to vector<1x16xf32>
      tpu.vector_store %arg10[%swap3A_138, %swap3A_139], %swap3A_142 {strides = array<i32>} : memref<128x128xf32, #tpu.memory_space<vmem>>, vector<1x16xf32>,
      %mul3A_143 = arith.constant 5.000000e-03 : f32
      %mul3A_144 = vector.broadcast %mul3A_143 : f32 to vector<16xf32>
      %mul3A_145 = arith.mulf %scan3A_86#7, %mul3A_144 : vector<16xf32>
      %swap3A_146 = arith.index_cast %mul3A_29 : i32 to index
      %swap3A_147 = arith.constant 112 : index
      %swap3A_148 = tpu.vector_load %arg10[%swap3A_146, %swap3A_147] {strides = array<i32>} : memref<128x128xf32, #tpu.memory_space<vmem>>, vector<1x16xf32>,
      %swap3A_149 = vector.shape_cast %swap3A_148 : vector<1x16xf32> to vector<16xf32>
      %swap3A_150 = vector.shape_cast %mul3A_145 : vector<16xf32> to vector<1x16xf32>
      tpu.vector_store %arg10[%swap3A_146, %swap3A_147], %swap3A_150 {strides = array<i32>} : memref<128x128xf32, #tpu.memory_space<vmem>>, vector<1x16xf32>,
      %lt3A = arith.constant 63 : i32
      %lt3A_151 = arith.cmpi slt, %scan3A_27, %lt3A : i32
      %convert_element_type3A = arith.extui %lt3A_151 : i1 to i32
      %cond3A = arith.constant 0 : i32
      %cond3A_152 = arith.cmpi ne, %convert_element_type3A, %cond3A : i32
      scf.if %cond3A_152 {
        %add3A_261 = arith.constant 2 : i32
        %add3A_262 = arith.addi %mul3A_29, %add3A_261 : i32
        %dma_start3A_263 = arith.constant 0 : i32
        %dma_start3A_264 = arith.constant 0 : i32
        %dma_start3A_265 = tpu.memref_slice %arg8[%dma_start3A_263, %dma_start3A_264] : memref<200x128xf32, #tpu.memory_space<vmem>> -> memref<128x128xf32, #tpu.memory_space<vmem>>
        %dma_start3A_266 = arith.constant 0 : i32
        %dma_start3A_267 = tpu.memref_slice %arg6[%add3A_262, %dma_start3A_266] : memref<128x128xi32, #tpu.memory_space<vmem>> -> memref<1x128xi32, #tpu.memory_space<vmem>>
        %dma_start3A_268 = tpu.memref_squeeze %dma_start3A_267 : memref<1x128xi32, #tpu.memory_space<vmem>> -> memref<128xi32, #tpu.memory_space<vmem>>
        %dma_start3A_269 = arith.constant 0 : i32
        %dma_start3A_270 = arith.constant 0 : i32
        %dma_start3A_271 = tpu.memref_slice %arg4[%dma_start3A_269, %dma_start3A_270] : memref<1000000x128xf32, #tpu.memory_space<hbm>> -> memref<1000000x128xf32, #tpu.memory_space<hbm>>
        tpu.enqueue_indirect_dma source(%dma_start3A_271 : memref<1000000x128xf32, #tpu.memory_space<hbm>>) target(%dma_start3A_265 : memref<128x128xf32, #tpu.memory_space<vmem>>) offsets(%dma_start3A_268 : memref<128xi32, #tpu.memory_space<vmem>>) semaphore(%arg11 : memref<!tpu.dma_semaphore, #tpu.memory_space<semaphore_mem>>)
        %dma_start3A_272 = arith.constant 128 : i32
        %dma_start3A_273 = arith.constant 0 : i32
        %dma_start3A_274 = tpu.memref_slice %arg8[%dma_start3A_272, %dma_start3A_273] : memref<200x128xf32, #tpu.memory_space<vmem>> -> memref<72x128xf32, #tpu.memory_space<vmem>>
        %dma_start3A_275 = arith.constant 0 : i32
        %dma_start3A_276 = tpu.memref_slice %arg7[%add3A_262, %dma_start3A_275] : memref<128x72xi32, #tpu.memory_space<vmem>> -> memref<1x72xi32, #tpu.memory_space<vmem>>
        %dma_start3A_277 = tpu.memref_squeeze %dma_start3A_276 : memref<1x72xi32, #tpu.memory_space<vmem>> -> memref<72xi32, #tpu.memory_space<vmem>>
        %dma_start3A_278 = arith.constant 0 : i32
        %dma_start3A_279 = arith.constant 0 : i32
        %dma_start3A_280 = tpu.memref_slice %arg4[%dma_start3A_278, %dma_start3A_279] : memref<1000000x128xf32, #tpu.memory_space<hbm>> -> memref<1000000x128xf32, #tpu.memory_space<hbm>>
        tpu.enqueue_indirect_dma source(%dma_start3A_280 : memref<1000000x128xf32, #tpu.memory_space<hbm>>) target(%dma_start3A_274 : memref<72x128xf32, #tpu.memory_space<vmem>>) offsets(%dma_start3A_277 : memref<72xi32, #tpu.memory_space<vmem>>) semaphore(%arg11 : memref<!tpu.dma_semaphore, #tpu.memory_space<semaphore_mem>>)
      } else {
      }
      %add3A_153 = arith.constant 1 : i32
      %add3A_154 = arith.addi %mul3A_29, %add3A_153 : i32
      %dma_wait3A_155 = arith.constant 0 : i32
      %dma_wait3A_156 = arith.constant 0 : i32
      %dma_wait3A_157 = tpu.memref_slice %arg9[%dma_wait3A_155, %dma_wait3A_156] : memref<200x128xf32, #tpu.memory_space<vmem>> -> memref<128x128xf32, #tpu.memory_space<vmem>>
      %dma_wait3A_158 = arith.constant 0 : i32
      %dma_wait3A_159 = tpu.memref_slice %arg6[%add3A_154, %dma_wait3A_158] : memref<128x128xi32, #tpu.memory_space<vmem>> -> memref<1x128xi32, #tpu.memory_space<vmem>>
      %dma_wait3A_160 = tpu.memref_squeeze %dma_wait3A_159 : memref<1x128xi32, #tpu.memory_space<vmem>> -> memref<128xi32, #tpu.memory_space<vmem>>
      %dma_wait3A_161 = arith.constant 0 : i32
      %dma_wait3A_162 = arith.constant 0 : i32
      %dma_wait3A_163 = tpu.memref_slice %arg4[%dma_wait3A_161, %dma_wait3A_162] : memref<1000000x128xf32, #tpu.memory_space<hbm>> -> memref<1000000x128xf32, #tpu.memory_space<hbm>>
      tpu.wait_indirect_dma semaphore(%arg12 : memref<!tpu.dma_semaphore, #tpu.memory_space<semaphore_mem>>) src(%dma_wait3A_163 : memref<1000000x128xf32, #tpu.memory_space<hbm>>) dst(%dma_wait3A_157 : memref<128x128xf32, #tpu.memory_space<vmem>>)
      %dma_wait3A_164 = arith.constant 128 : i32
      %dma_wait3A_165 = arith.constant 0 : i32
      %dma_wait3A_166 = tpu.memref_slice %arg9[%dma_wait3A_164, %dma_wait3A_165] : memref<200x128xf32, #tpu.memory_space<vmem>> -> memref<72x128xf32, #tpu.memory_space<vmem>>
      %dma_wait3A_167 = arith.constant 0 : i32
      %dma_wait3A_168 = tpu.memref_slice %arg7[%add3A_154, %dma_wait3A_167] : memref<128x72xi32, #tpu.memory_space<vmem>> -> memref<1x72xi32, #tpu.memory_space<vmem>>
      %dma_wait3A_169 = tpu.memref_squeeze %dma_wait3A_168 : memref<1x72xi32, #tpu.memory_space<vmem>> -> memref<72xi32, #tpu.memory_space<vmem>>
      %dma_wait3A_170 = arith.constant 0 : i32
      %dma_wait3A_171 = arith.constant 0 : i32
      %dma_wait3A_172 = tpu.memref_slice %arg4[%dma_wait3A_170, %dma_wait3A_171] : memref<1000000x128xf32, #tpu.memory_space<hbm>> -> memref<1000000x128xf32, #tpu.memory_space<hbm>>
      tpu.wait_indirect_dma semaphore(%arg12 : memref<!tpu.dma_semaphore, #tpu.memory_space<semaphore_mem>>) src(%dma_wait3A_172 : memref<1000000x128xf32, #tpu.memory_space<hbm>>) dst(%dma_wait3A_166 : memref<72x128xf32, #tpu.memory_space<vmem>>)
      %add3A_173 = arith.constant 1 : i32
      %add3A_174 = arith.addi %mul3A_29, %add3A_173 : i32
      %broadcast_in_dim3A_175 = arith.constant 0.000000e+00 : f32
      %broadcast_in_dim3A_176 = vector.broadcast %broadcast_in_dim3A_175 : f32 to vector<16xf32>
      %broadcast_in_dim3A_177 = arith.constant 0.000000e+00 : f32
      %broadcast_in_dim3A_178 = vector.broadcast %broadcast_in_dim3A_177 : f32 to vector<16xf32>
      %broadcast_in_dim3A_179 = arith.constant 0.000000e+00 : f32
      %broadcast_in_dim3A_180 = vector.broadcast %broadcast_in_dim3A_179 : f32 to vector<16xf32>
      %broadcast_in_dim3A_181 = arith.constant 0.000000e+00 : f32
      %broadcast_in_dim3A_182 = vector.broadcast %broadcast_in_dim3A_181 : f32 to vector<16xf32>
      %broadcast_in_dim3A_183 = arith.constant 0.000000e+00 : f32
      %broadcast_in_dim3A_184 = vector.broadcast %broadcast_in_dim3A_183 : f32 to vector<16xf32>
      %broadcast_in_dim3A_185 = arith.constant 0.000000e+00 : f32
      %broadcast_in_dim3A_186 = vector.broadcast %broadcast_in_dim3A_185 : f32 to vector<16xf32>
      %broadcast_in_dim3A_187 = arith.constant 0.000000e+00 : f32
      %broadcast_in_dim3A_188 = vector.broadcast %broadcast_in_dim3A_187 : f32 to vector<16xf32>
      %broadcast_in_dim3A_189 = arith.constant 0.000000e+00 : f32
      %broadcast_in_dim3A_190 = vector.broadcast %broadcast_in_dim3A_189 : f32 to vector<16xf32>
      %scan3A_191 = arith.constant 0 : i32
      %scan3A_192 = arith.constant 100 : i32
      %scan3A_193 = arith.addi %scan3A_191, %scan3A_192 : i32
      %scan3A_194 = arith.constant 1 : i32
      %scan3A_195:8 = scf.for %scan3A_261 = %scan3A_191 to %scan3A_193 step %scan3A_194 iter_args(%scan3A_262 = %broadcast_in_dim3A_176, %scan3A_263 = %broadcast_in_dim3A_178, %scan3A_264 = %broadcast_in_dim3A_180, %scan3A_265 = %broadcast_in_dim3A_182, %scan3A_266 = %broadcast_in_dim3A_184, %scan3A_267 = %broadcast_in_dim3A_186, %scan3A_268 = %broadcast_in_dim3A_188, %scan3A_269 = %broadcast_in_dim3A_190) -> (vector<16xf32>, vector<16xf32>, vector<16xf32>, vector<16xf32>, vector<16xf32>, vector<16xf32>, vector<16xf32>, vector<16xf32>)  : i32 {
        %get3A = arith.index_cast %scan3A_261 : i32 to index
        %get3A_270 = arith.constant 0 : index
        %get3A_271 = tpu.vector_load %arg9[%get3A, %get3A_270] {strides = array<i32>} : memref<200x128xf32, #tpu.memory_space<vmem>>, vector<1x16xf32>,
        %get3A_272 = vector.shape_cast %get3A_271 : vector<1x16xf32> to vector<16xf32>
        %add3A_273 = arith.addf %scan3A_262, %get3A_272 : vector<16xf32>
        %get3A_274 = arith.index_cast %scan3A_261 : i32 to index
        %get3A_275 = arith.constant 16 : index
        %get3A_276 = tpu.vector_load %arg9[%get3A_274, %get3A_275] {strides = array<i32>} : memref<200x128xf32, #tpu.memory_space<vmem>>, vector<1x16xf32>,
        %get3A_277 = vector.shape_cast %get3A_276 : vector<1x16xf32> to vector<16xf32>
        %add3A_278 = arith.addf %scan3A_263, %get3A_277 : vector<16xf32>
        %get3A_279 = arith.index_cast %scan3A_261 : i32 to index
        %get3A_280 = arith.constant 32 : index
        %get3A_281 = tpu.vector_load %arg9[%get3A_279, %get3A_280] {strides = array<i32>} : memref<200x128xf32, #tpu.memory_space<vmem>>, vector<1x16xf32>,
        %get3A_282 = vector.shape_cast %get3A_281 : vector<1x16xf32> to vector<16xf32>
        %add3A_283 = arith.addf %scan3A_264, %get3A_282 : vector<16xf32>
        %get3A_284 = arith.index_cast %scan3A_261 : i32 to index
        %get3A_285 = arith.constant 48 : index
        %get3A_286 = tpu.vector_load %arg9[%get3A_284, %get3A_285] {strides = array<i32>} : memref<200x128xf32, #tpu.memory_space<vmem>>, vector<1x16xf32>,
        %get3A_287 = vector.shape_cast %get3A_286 : vector<1x16xf32> to vector<16xf32>
        %add3A_288 = arith.addf %scan3A_265, %get3A_287 : vector<16xf32>
        %get3A_289 = arith.index_cast %scan3A_261 : i32 to index
        %get3A_290 = arith.constant 64 : index
        %get3A_291 = tpu.vector_load %arg9[%get3A_289, %get3A_290] {strides = array<i32>} : memref<200x128xf32, #tpu.memory_space<vmem>>, vector<1x16xf32>,
        %get3A_292 = vector.shape_cast %get3A_291 : vector<1x16xf32> to vector<16xf32>
        %add3A_293 = arith.addf %scan3A_266, %get3A_292 : vector<16xf32>
        %get3A_294 = arith.index_cast %scan3A_261 : i32 to index
        %get3A_295 = arith.constant 80 : index
        %get3A_296 = tpu.vector_load %arg9[%get3A_294, %get3A_295] {strides = array<i32>} : memref<200x128xf32, #tpu.memory_space<vmem>>, vector<1x16xf32>,
        %get3A_297 = vector.shape_cast %get3A_296 : vector<1x16xf32> to vector<16xf32>
        %add3A_298 = arith.addf %scan3A_267, %get3A_297 : vector<16xf32>
        %get3A_299 = arith.index_cast %scan3A_261 : i32 to index
        %get3A_300 = arith.constant 96 : index
        %get3A_301 = tpu.vector_load %arg9[%get3A_299, %get3A_300] {strides = array<i32>} : memref<200x128xf32, #tpu.memory_space<vmem>>, vector<1x16xf32>,
        %get3A_302 = vector.shape_cast %get3A_301 : vector<1x16xf32> to vector<16xf32>
        %add3A_303 = arith.addf %scan3A_268, %get3A_302 : vector<16xf32>
        %get3A_304 = arith.index_cast %scan3A_261 : i32 to index
        %get3A_305 = arith.constant 112 : index
        %get3A_306 = tpu.vector_load %arg9[%get3A_304, %get3A_305] {strides = array<i32>} : memref<200x128xf32, #tpu.memory_space<vmem>>, vector<1x16xf32>,
        %get3A_307 = vector.shape_cast %get3A_306 : vector<1x16xf32> to vector<16xf32>
        %add3A_308 = arith.addf %scan3A_269, %get3A_307 : vector<16xf32>
        scf.yield %add3A_273, %add3A_278, %add3A_283, %add3A_288, %add3A_293, %add3A_298, %add3A_303, %add3A_308 : vector<16xf32>, vector<16xf32>, vector<16xf32>, vector<16xf32>, vector<16xf32>, vector<16xf32>, vector<16xf32>, vector<16xf32>
      }
      %scan3A_196 = arith.constant 100 : i32
      %mul3A_197 = arith.constant 5.000000e-03 : f32
      %mul3A_198 = vector.broadcast %mul3A_197 : f32 to vector<16xf32>
      %mul3A_199 = arith.mulf %scan3A_195#0, %mul3A_198 : vector<16xf32>
      %swap3A_200 = arith.index_cast %add3A_174 : i32 to index
      %swap3A_201 = arith.constant 0 : index
      %swap3A_202 = tpu.vector_load %arg10[%swap3A_200, %swap3A_201] {strides = array<i32>} : memref<128x128xf32, #tpu.memory_space<vmem>>, vector<1x16xf32>,
      %swap3A_203 = vector.shape_cast %swap3A_202 : vector<1x16xf32> to vector<16xf32>
      %swap3A_204 = vector.shape_cast %mul3A_199 : vector<16xf32> to vector<1x16xf32>
      tpu.vector_store %arg10[%swap3A_200, %swap3A_201], %swap3A_204 {strides = array<i32>} : memref<128x128xf32, #tpu.memory_space<vmem>>, vector<1x16xf32>,
      %mul3A_205 = arith.constant 5.000000e-03 : f32
      %mul3A_206 = vector.broadcast %mul3A_205 : f32 to vector<16xf32>
      %mul3A_207 = arith.mulf %scan3A_195#1, %mul3A_206 : vector<16xf32>
      %swap3A_208 = arith.index_cast %add3A_174 : i32 to index
      %swap3A_209 = arith.constant 16 : index
      %swap3A_210 = tpu.vector_load %arg10[%swap3A_208, %swap3A_209] {strides = array<i32>} : memref<128x128xf32, #tpu.memory_space<vmem>>, vector<1x16xf32>,
      %swap3A_211 = vector.shape_cast %swap3A_210 : vector<1x16xf32> to vector<16xf32>
      %swap3A_212 = vector.shape_cast %mul3A_207 : vector<16xf32> to vector<1x16xf32>
      tpu.vector_store %arg10[%swap3A_208, %swap3A_209], %swap3A_212 {strides = array<i32>} : memref<128x128xf32, #tpu.memory_space<vmem>>, vector<1x16xf32>,
      %mul3A_213 = arith.constant 5.000000e-03 : f32
      %mul3A_214 = vector.broadcast %mul3A_213 : f32 to vector<16xf32>
      %mul3A_215 = arith.mulf %scan3A_195#2, %mul3A_214 : vector<16xf32>
      %swap3A_216 = arith.index_cast %add3A_174 : i32 to index
      %swap3A_217 = arith.constant 32 : index
      %swap3A_218 = tpu.vector_load %arg10[%swap3A_216, %swap3A_217] {strides = array<i32>} : memref<128x128xf32, #tpu.memory_space<vmem>>, vector<1x16xf32>,
      %swap3A_219 = vector.shape_cast %swap3A_218 : vector<1x16xf32> to vector<16xf32>
      %swap3A_220 = vector.shape_cast %mul3A_215 : vector<16xf32> to vector<1x16xf32>
      tpu.vector_store %arg10[%swap3A_216, %swap3A_217], %swap3A_220 {strides = array<i32>} : memref<128x128xf32, #tpu.memory_space<vmem>>, vector<1x16xf32>,
      %mul3A_221 = arith.constant 5.000000e-03 : f32
      %mul3A_222 = vector.broadcast %mul3A_221 : f32 to vector<16xf32>
      %mul3A_223 = arith.mulf %scan3A_195#3, %mul3A_222 : vector<16xf32>
      %swap3A_224 = arith.index_cast %add3A_174 : i32 to index
      %swap3A_225 = arith.constant 48 : index
      %swap3A_226 = tpu.vector_load %arg10[%swap3A_224, %swap3A_225] {strides = array<i32>} : memref<128x128xf32, #tpu.memory_space<vmem>>, vector<1x16xf32>,
      %swap3A_227 = vector.shape_cast %swap3A_226 : vector<1x16xf32> to vector<16xf32>
      %swap3A_228 = vector.shape_cast %mul3A_223 : vector<16xf32> to vector<1x16xf32>
      tpu.vector_store %arg10[%swap3A_224, %swap3A_225], %swap3A_228 {strides = array<i32>} : memref<128x128xf32, #tpu.memory_space<vmem>>, vector<1x16xf32>,
      %mul3A_229 = arith.constant 5.000000e-03 : f32
      %mul3A_230 = vector.broadcast %mul3A_229 : f32 to vector<16xf32>
      %mul3A_231 = arith.mulf %scan3A_195#4, %mul3A_230 : vector<16xf32>
      %swap3A_232 = arith.index_cast %add3A_174 : i32 to index
      %swap3A_233 = arith.constant 64 : index
      %swap3A_234 = tpu.vector_load %arg10[%swap3A_232, %swap3A_233] {strides = array<i32>} : memref<128x128xf32, #tpu.memory_space<vmem>>, vector<1x16xf32>,
      %swap3A_235 = vector.shape_cast %swap3A_234 : vector<1x16xf32> to vector<16xf32>
      %swap3A_236 = vector.shape_cast %mul3A_231 : vector<16xf32> to vector<1x16xf32>
      tpu.vector_store %arg10[%swap3A_232, %swap3A_233], %swap3A_236 {strides = array<i32>} : memref<128x128xf32, #tpu.memory_space<vmem>>, vector<1x16xf32>,
      %mul3A_237 = arith.constant 5.000000e-03 : f32
      %mul3A_238 = vector.broadcast %mul3A_237 : f32 to vector<16xf32>
      %mul3A_239 = arith.mulf %scan3A_195#5, %mul3A_238 : vector<16xf32>
      %swap3A_240 = arith.index_cast %add3A_174 : i32 to index
      %swap3A_241 = arith.constant 80 : index
      %swap3A_242 = tpu.vector_load %arg10[%swap3A_240, %swap3A_241] {strides = array<i32>} : memref<128x128xf32, #tpu.memory_space<vmem>>, vector<1x16xf32>,
      %swap3A_243 = vector.shape_cast %swap3A_242 : vector<1x16xf32> to vector<16xf32>
      %swap3A_244 = vector.shape_cast %mul3A_239 : vector<16xf32> to vector<1x16xf32>
      tpu.vector_store %arg10[%swap3A_240, %swap3A_241], %swap3A_244 {strides = array<i32>} : memref<128x128xf32, #tpu.memory_space<vmem>>, vector<1x16xf32>,
      %mul3A_245 = arith.constant 5.000000e-03 : f32
      %mul3A_246 = vector.broadcast %mul3A_245 : f32 to vector<16xf32>
      %mul3A_247 = arith.mulf %scan3A_195#6, %mul3A_246 : vector<16xf32>
      %swap3A_248 = arith.index_cast %add3A_174 : i32 to index
      %swap3A_249 = arith.constant 96 : index
      %swap3A_250 = tpu.vector_load %arg10[%swap3A_248, %swap3A_249] {strides = array<i32>} : memref<128x128xf32, #tpu.memory_space<vmem>>, vector<1x16xf32>,
      %swap3A_251 = vector.shape_cast %swap3A_250 : vector<1x16xf32> to vector<16xf32>
      %swap3A_252 = vector.shape_cast %mul3A_247 : vector<16xf32> to vector<1x16xf32>
      tpu.vector_store %arg10[%swap3A_248, %swap3A_249], %swap3A_252 {strides = array<i32>} : memref<128x128xf32, #tpu.memory_space<vmem>>, vector<1x16xf32>,
      %mul3A_253 = arith.constant 5.000000e-03 : f32
      %mul3A_254 = vector.broadcast %mul3A_253 : f32 to vector<16xf32>
      %mul3A_255 = arith.mulf %scan3A_195#7, %mul3A_254 : vector<16xf32>
      %swap3A_256 = arith.index_cast %add3A_174 : i32 to index
      %swap3A_257 = arith.constant 112 : index
      %swap3A_258 = tpu.vector_load %arg10[%swap3A_256, %swap3A_257] {strides = array<i32>} : memref<128x128xf32, #tpu.memory_space<vmem>>, vector<1x16xf32>,
      %swap3A_259 = vector.shape_cast %swap3A_258 : vector<1x16xf32> to vector<16xf32>
      %swap3A_260 = vector.shape_cast %mul3A_255 : vector<16xf32> to vector<1x16xf32>
      tpu.vector_store %arg10[%swap3A_256, %swap3A_257], %swap3A_260 {strides = array<i32>} : memref<128x128xf32, #tpu.memory_space<vmem>>, vector<1x16xf32>,
    }
    %scan3A_26 = arith.constant 64 : i32
    "tpu.region"() ({
      %run_scoped3A = tpu.sem_alloc : memref<!tpu.dma_semaphore, #tpu.memory_space<semaphore_mem>>
      %dma_start3A_27 = arith.constant 0 : i32
      %dma_start3A_28 = tpu.memref_slice %arg5[%mul3A_2, %dma_start3A_27] : memref<4096x128xf32, #tpu.memory_space<hbm>> -> memref<128x128xf32, #tpu.memory_space<hbm>>
      %dma_start3A_29 = arith.constant 0 : i32
      %dma_start3A_30 = tpu.memref_slice %arg5[%mul3A_2, %dma_start3A_29] : memref<4096x128xf32, #tpu.memory_space<hbm>> -> memref<128x128xf32, #tpu.memory_space<hbm>>
      tpu.enqueue_dma source(%arg10 : memref<128x128xf32, #tpu.memory_space<vmem>>) target(%dma_start3A_30 : memref<128x128xf32, #tpu.memory_space<hbm>>) target_semaphore(%run_scoped3A : memref<!tpu.dma_semaphore, #tpu.memory_space<semaphore_mem>>)
      %dma_wait3A = arith.constant 0 : i32
      %dma_wait3A_31 = tpu.memref_slice %arg5[%mul3A_2, %dma_wait3A] : memref<4096x128xf32, #tpu.memory_space<hbm>> -> memref<128x128xf32, #tpu.memory_space<hbm>>
      %dma_wait3A_32 = arith.constant 0 : i32
      %dma_wait3A_33 = tpu.memref_slice %arg5[%mul3A_2, %dma_wait3A_32] : memref<4096x128xf32, #tpu.memory_space<hbm>> -> memref<128x128xf32, #tpu.memory_space<hbm>>
      tpu.wait_dma2 semaphore(%run_scoped3A : memref<!tpu.dma_semaphore, #tpu.memory_space<semaphore_mem>>) src(%arg10 : memref<128x128xf32, #tpu.memory_space<vmem>>) dst(%dma_wait3A_33 : memref<128x128xf32, #tpu.memory_space<hbm>>)
      tpu.yield
    }) : () -> ()
    return
  }
}

module attributes {stable_mosaic.version = 14 : i64} {
  func.func @_proj_body(%arg0: memref<4096x128xf32, #tpu.memory_space<vmem>>, %arg1: memref<128x128xf32, #tpu.memory_space<vmem>>, %arg2: memref<1x128xf32, #tpu.memory_space<vmem>>, %arg3: memref<4096x128xf32, #tpu.memory_space<vmem>>) attributes {dimension_semantics = [], scalar_prefetch = 0 : i64, scratch_operands = 0 : i64, tpu.core_type = #tpu.core_type<tc>} {
    %get3A = arith.constant 0 : index
    %get3A_0 = arith.constant 0 : index
    %get3A_1 = vector.load %arg0[%get3A, %get3A_0] : memref<4096x128xf32, #tpu.memory_space<vmem>>, vector<4096x128xf32>
    %get3A_2 = arith.constant 0 : index
    %get3A_3 = arith.constant 0 : index
    %get3A_4 = vector.load %arg1[%get3A_2, %get3A_3] : memref<128x128xf32, #tpu.memory_space<vmem>>, vector<128x128xf32>
    %dot_general3A = arith.constant dense<0.000000e+00> : vector<4096x128xf32>
    %dot_general3A_5 = tpu.matmul %get3A_1, %get3A_4, %dot_general3A {dimension_numbers = #tpu.dot_dimension_numbers<[1], [1], [0], [0], [0, 0, 1, 0], [], []>, transpose_lhs_hint = false} : vector<4096x128xf32>, vector<128x128xf32>, vector<4096x128xf32> -> vector<4096x128xf32>
    %get3A_6 = arith.constant 0 : index
    %get3A_7 = arith.constant 0 : index
    %get3A_8 = vector.load %arg2[%get3A_6, %get3A_7] : memref<1x128xf32, #tpu.memory_space<vmem>>, vector<1x128xf32>
    %add3A = vector.broadcast %get3A_8 : vector<1x128xf32> to vector<4096x128xf32>
    %add3A_9 = arith.addf %dot_general3A_5, %add3A : vector<4096x128xf32>
    %swap3A = arith.constant 0 : index
    %swap3A_10 = arith.constant 0 : index
    %swap3A_11 = vector.load %arg3[%swap3A, %swap3A_10] : memref<4096x128xf32, #tpu.memory_space<vmem>>, vector<4096x128xf32>
    tpu.vector_store %arg3[%swap3A, %swap3A_10], %add3A_9 {strides = array<i32>} : memref<4096x128xf32, #tpu.memory_space<vmem>>, vector<4096x128xf32>,
    return
  }
}

</mosaic_0001>

<sc_bundles>
// kernel: kernel.4.cloned.1.call-start
scs
__scs_entry_jumppad:
0x0: {  	(pc) =	sbr.rel $0x88, $3  }
0x1: {  	(tag) =	ssettag $0x0;
	lr =	simm.s32 $0x1  }
0x2: {  	[smem:$0x3F9D] =	sst lr;
	_ =	strace $0xD0000000  }
0x3: {  	_ = 	snop  }
0x4: {  	_ = 	snop  }
0x5: {  	_ = 	snop  }
0x6: {  	_ = 	snop  }
0x7: {  	_ = 	snop  }
__scs_overlays_trampoline_lowered:
0x8: {  	[smem:$0x3FAC] =	sst s0  }
0x9: {  	[smem:$0x3FAD] =	sst s1  }
0xa: {  	[smem:$0x3FAE] =	sst s2  }
0xb: {  	[smem:$0x3FAF] =	sst s3  }
0xc: {  	[smem:$0x3FB0] =	sst s4  }
0xd: {  	[smem:$0x3FB1] =	sst s5  }
0xe: {  	[smem:$0x3FB2] =	sst s6  }
0xf: {  	[smem:$0x3FB3] =	sst s7  }
0x10: {  	[smem:$0x3FB4] =	sst s8  }
0x11: {  	[smem:$0x3FB5] =	sst s9;
	s0 =	simm.s32 @!p0 $0x0  }
0x12: {  	s1 =	sld [smem:$0x3F9B];
	s0 =	simm.s32 @p0 $0x1  }
0x13: {  	[smem:$0x3FB6] =	sst s0;
	s0 =	simm.s32 @!p1 $0x0  }
0x14: {  	s2 =	sld [smem:$0x3F9A];
	s0 =	simm.s32 @p1 $0x1  }
0x15: {  	[smem:$0x3FB7] =	sst s0;
	s0 =	simm.s32 @!p2 $0x0  }
0x16: {  	s3 =	sld [smem:$0x3FDB];
	s0 =	simm.s32 @p2 $0x1  }
0x17: {  	s4 =	simm.s32 $0x1BF5;
	[smem:$0x3FB9] =	sst s0  }
0x18: {  	s0 =	sld [smem:$0x3F9C];
	_ =	swait.ge [sflag:s4], $0x0  }
0x19: {  	s7 =	sld [smem:$0x3F9D]  }
0x1a: {  	s8 =	sadd.s32 $0xFFFFE003, lr  }
0x1b: {  	s9 =	sadd.s32 $0xFFFFFEF7, lr;
	s5 =	simm.s32 $0xFFFFFFFF;
	p2 =	slt.u32 s8, $0xFFFFF086  }
0x1c: {  	p1 =	slt.u32 s9, $0xF7A;
	s5 =	simm.s32 @!p2 $0x0  }
0x1d: {  	s5 =	simm.s32 @p1 $0x1;
	p0 =	seq.s32 s7, s2  }
0x1e: {  	s7 =	smul.u32 @!p0 $0xF7A, s2;
	p2 =	seq.s32 @!p0 s5, $0x0  }
0x1f: {  	s9 =	smul.u32 $0xF7A, s1;
	s8 =	simm.s32 @!p0 $0x1BF5;
	p2 =	por !p2, p0  }
0x20: {  	[sflag:s8] =	ssyncset.s32 @!p0 $0xFFFFF086;
	s6 =	sadd.s32 @!p0 s3, s7;
	s7 =	simm.s32 @!p0 $0x108  }
0x21: {  	s3 =	sadd.s32 s3, s9;
	s6 =	sadd.s32 @!p0 $0x88, s6;
	s7 =	simm.s32 @p2 $0x1082  }
0x22: {  	[simem:s7], [sflag:s8] =	dma.local @!p0 [hbm:s6], $0xF7A  }
0x23: {  	s9 =	sor.u32 $0xD0000000, s2;
	s6 =	simm.s32 $0x108;
	_ =	swait.ge @!p0 [sflag:s8], $0x0  }
0x24: {  	s3 =	sadd.s32 $0x88, s3;
	s6 =	simm.s32 @!p1 $0x1082;
	[sflag:s4] =	ssyncset.s32 $0xFFFFF086  }
0x25: {  	[simem:s6], [sflag:s4] =	dma.local [hbm:s3], $0xF7A  }
0x26: {  	[smem:$0x3F9D] =	sst s1;
	(tag) =	ssettag s2;
	_ =	strace s9  }
0x27: {  	s1 =	sld [smem:$0x3FAD]  }
0x28: {  	s2 =	sld [smem:$0x3FAE]  }
0x29: {  	s4 =	sld [smem:$0x3FB0]  }
0x2a: {  	p0 =	seq.s32 s5, $0x0;
	s5 =	sld [smem:$0x3FB1]  }
0x2b: {  	s6 =	sld [smem:$0x3FB2]  }
0x2c: {  	s7 =	sld [smem:$0x3FB3]  }
0x2d: {  	s3 =	simm.s32 $0x108;
	s8 =	sld [smem:$0x3FB4]  }
0x2e: {  	s3 =	simm.s32 @!p0 $0x1082;
	s9 =	sld [smem:$0x3FB5]  }
0x2f: {  	lr =	sadd.s32 s0, s3;
	s0 =	sld [smem:$0x3FAC]  }
0x30: {  	s3 =	sld [smem:$0x3FAF]  }
0x31: {  	[smem:$0x3FB8] =	sst s10  }
0x32: {  	s10 =	sld [smem:$0x3FB6];
	_ =	sdelay $0x3  }
0x33: {  	p0 =	seq.s32 s10, $0x1;
	s10 =	sld [smem:$0x3FB8];
	_ =	sdelay $0x3  }
0x34: {  	[smem:$0x3FB8] =	sst s10  }
0x35: {  	s10 =	sld [smem:$0x3FB7];
	_ =	sdelay $0x3  }
0x36: {  	p1 =	seq.s32 s10, $0x1;
	s10 =	sld [smem:$0x3FB8];
	_ =	sdelay $0x3  }
0x37: {  	[smem:$0x3FB8] =	sst s10  }
0x38: {  	s10 =	sld [smem:$0x3FB9]  }
0x39: {  	_ = 	snop;
	(pc) =	sbr.ind lr, $3  }
0x3a: {  	_ = 	snop  }
0x3b: {  	_ = 	snop  }
0x3c: {  	p2 =	seq.s32 s10, $0x1;
	s10 =	sld [smem:$0x3FB8]  }
0x3d: {  	_ =	shalt  }
0x3e: {  	_ =	shalt  }
0x3f: {  	_ =	shalt  }
0x40: {  	_ =	shalt  }
0x41: {  	_ =	shalt  }
0x42: {  	_ =	shalt  }
0x43: {  	_ =	shalt  }
0x44: {  	_ =	shalt  }
0x45: {  	_ =	shalt  }
0x46: {  	_ =	shalt  }
0x47: {  	_ =	shalt  }
0x48: {  	_ =	shalt  }
0x49: {  	_ =	shalt  }
0x4a: {  	_ =	shalt  }
0x4b: {  	_ =	shalt  }
0x4c: {  	_ =	shalt  }
0x4d: {  	_ =	shalt  }
0x4e: {  	_ =	shalt  }
0x4f: {  	_ =	shalt  }
0x50: {  	_ =	shalt  }
0x51: {  	_ =	shalt  }
0x52: {  	_ =	shalt  }
0x53: {  	_ =	shalt  }
0x54: {  	_ =	shalt  }
0x55: {  	_ =	shalt  }
0x56: {  	_ =	shalt  }
0x57: {  	_ =	shalt  }
0x58: {  	_ =	shalt  }
0x59: {  	_ =	shalt  }
0x5a: {  	_ =	shalt  }
0x5b: {  	_ =	shalt  }
0x5c: {  	_ =	shalt  }
0x5d: {  	_ =	shalt  }
0x5e: {  	_ =	shalt  }
0x5f: {  	_ =	shalt  }
0x60: {  	_ =	shalt  }
0x61: {  	_ =	shalt  }
0x62: {  	_ =	shalt  }
0x63: {  	_ =	shalt  }
0x64: {  	_ =	shalt  }
0x65: {  	_ =	shalt  }
0x66: {  	_ =	shalt  }
0x67: {  	_ =	shalt  }
0x68: {  	_ =	shalt  }
0x69: {  	_ =	shalt  }
0x6a: {  	_ =	shalt  }
0x6b: {  	_ =	shalt  }
0x6c: {  	_ =	shalt  }
0x6d: {  	_ =	shalt  }
0x6e: {  	_ =	shalt  }
0x6f: {  	_ =	shalt  }
0x70: {  	_ =	shalt  }
0x71: {  	_ =	shalt  }
0x72: {  	_ =	shalt  }
0x73: {  	_ =	shalt  }
0x74: {  	_ =	shalt  }
0x75: {  	_ =	shalt  }
0x76: {  	_ =	shalt  }
0x77: {  	_ =	shalt  }
0x78: {  	_ =	shalt  }
0x79: {  	_ =	shalt  }
0x7a: {  	_ =	shalt  }
0x7b: {  	_ =	shalt  }
0x7c: {  	_ =	shalt  }
0x7d: {  	_ =	shalt  }
0x7e: {  	_ =	shalt  }
0x7f: {  	_ =	shalt  }
0x80: {  	_ =	shalt  }
0x81: {  	_ =	shalt  }
0x82: {  	_ =	shalt  }
0x83: {  	_ =	shalt  }
0x84: {  	_ =	shalt  }
0x85: {  	_ =	shalt  }
0x86: {  	_ =	shalt  }
0x87: {  	_ =	shalt  }
.Lfunc_end0:
.L_simem_size_0:
called_computation_lowered:
.L_overlay_start_0:
0x88: {  	s2 =	sld [smem:$0x3FD9]  }
0x89: {  	s3 =	sld [smem:$0x3FFE];
	_ =	sdelay $0x1  }
0x8a: {  	s1 =	srdreg.scid  }
0x8b: {  	s0 =	sand.u32 $0x1, s1  }
0x8c: {  	s17 =	sshll.u32 s0, $0xA;
	s2 =	sadd.s32 s3, s2  }
0x8d: {  	s2 =	sadd.s32 s2, s17  }
0x8e: {  	[smem:$0x3FC4] =	sst s2  }
0x8f: {  	_ = 	snop  }
0x90: {  	s2 =	sld [smem:$0x3FC8]  }
0x91: {  	s18 =	sld [smem:$0x3FD0];
	(tm) =	ssettm $0x1  }
0x92: {  	s4 =	sld [smem:$0x3FFB];
	_ =	sdelay $0x3  }
0x93: {  	_ =	strace s4  }
0x94: {  	s4 =	sld [smem:$0x3FFC];
	_ =	sdelay $0x3  }
0x95: {  	_ =	strace s4  }
0x96: {  	s4 =	sld [smem:$0x3FFD];
	_ =	sdelay $0x3  }
0x97: {  	_ =	strace s4  }
0x98: {  	_ =	strace $0x8FFFFFFF  }
0x99: {  	s19 =	sld [smem:$0x3FDB];
	_ =	sdelay $0x1  }
0x9a: {  	s5 =	simm.s32 $_scs_section_size  }
0x9b: {  	s6 =	simm.s32 $_size__tile_overlayer_lowered;
	s7 =	simm.s32 $_tile_overlayer_lowered  }
0x9c: {  	s22 =	simm.s32 $0x1BFF;
	s21 =	sshll.u32 s7, $0x1;
	s4 =	sadd.s32 s5, s19  }
0x9d: {  	s8 =	simm.s32 $0x0;
	s20 =	sshll.u32 s6, $0x1;
	s6 =	sadd.s32 s21, s4  }
0x9e: {  	[timem:s8], [sflag:s22] =	dma.local [hbm:s6], s20  }
0x9f: {  	_ =	swait.ge [sflag:s22], s20  }
0xa0: {  	s5 =	ssub.s32 $0x0, s20;
	[sflag:s22] =	ssyncset.done $0x0  }
0xa1: {  	[sflag:s22] =	ssyncadd.s32 s5;
	_ =	sdelay $0x1  }
0xa2: {  	s23 =	simm.s32 $0x1B8B  }
0xa3: {  	_ =	swait.ge [sflag:s23], $0x1  }
0xa4: {  	[sflag:s23] =	ssyncset.done $0x0  }
0xa5: {  	s25 =	simm.s32 $0x1B8E;
	s24 =	sld [smem:$0x3FFE];
	[sflag:s23] =	ssyncadd.s32 $0xFFFFFFFF  }
0xa6: {  	s26 =	simm.s32 $execute0_lowered;
	[smem:$0x3FD2] =	sst s25  }
0xa7: {  	s6 =	sshll.u32 s26, $0x1;
	_ =	strace $0x80000046;
	[dreg:$0x1] =	wrdreg $0xFFFFFFFF  }
0xa8: {  	s28 =	simm.s32 $_size_execute0_lowered;
	s4 =	sadd.s32 s4, s6;
	[dreg:$0x0] =	wrdreg $0x0  }
0xa9: {  	s6 =	sshll.u32 s28, $0x1;
	[dreg:$0x2] =	wrdreg s4  }
0xaa: {  	[dreg:$0x3] =	wrdreg s6  }
0xab: {  	[dreg:$0x4] =	wrdreg $0xC0  }
0xac: {  	_ =	task [dreg:s8], $0x5FFFF  }
0xad: {  	[dreg:$0x1] =	wrdreg $0xFFFFFFFF  }
0xae: {  	[dreg:$0x0] =	wrdreg $0x60  }
0xaf: {  	[dreg:$0x2] =	wrdreg s18  }
0xb0: {  	[dreg:$0x3] =	wrdreg s24  }
0xb1: {  	[dreg:$0x4] =	wrdreg s2  }
0xb2: {  	[dreg:$0x5] =	wrdreg $0x9  }
0xb3: {  	_ =	task.clear_ibuf [dreg:s8], $0x6FFFF;
	_ =	strace $0x90000046  }
0xb4: {  	s29 =	simm.s32 $0x9;
	_ =	strace $0x80000048  }
0xb5: {  	_ =	swait.ge [sflag:s29], $0x1  }
0xb6: {  	[sflag:s29] =	ssyncadd.s32 $0xFFFFFFFF  }
0xb7: {  	_ =	strace $0x90000048  }
0xb8: {  	_ =	sfence  }
0xb9: {  	s30 =	sld [smem:$0x0];
	_ =	sdelay $0x2  }
0xba: {  	s31 =	sshll.u32 s1, $0xD;
	s1 =	sshrl.u32 s1, $0x2  }
0xbb: {  	s3 =	sand.u32 $0x4000, s31;
	s1 =	sadd.s32 s1, s30  }
0xbc: {  	s0 =	sor.u32 s3, s0;
	s1 =	sshll.u32 s1, $0x11  }
0xbd: {  	s0 =	sor.u32 s1, s0  }
0xbe: {  	s0 =	sadd.s32 $0x8F2B, s0  }
0xbf: {  	[sflag:s0] =	ssyncadd.remote.s32 $0x1  }
0xc0: {  	_ =	sfence.sel $0xFFFF  }
0xc1: {  	[dreg:$0x0] =	wrdreg $0xFFFFFFFF;
	(pc) =	sbr.abs _section_cstart, $3  }
0xc2: {  	[dreg:$0x1] =	wrdreg $0xFFFFFFFF  }
0xc3: {  	_ =	task.clear_ibuf [dreg:s8], $0x2FFFF;
	_ =	strace $0x9FFFFFFF  }
0xc4: {  	(tm) =	ssettm $0x7FFFFFFF  }
0xc5: {  	_ =	shalt  }
tec
execute0_lowered:
.L_overlay_start_1:
0x0: {  	(tag) =	ssettag $0x1  }
0x1: {  	s4 =	rddreg [dreg:$0x0]  }
0x2: {  	s5 =	rddreg [dreg:$0x1]  }
0x3: {  	s1 =	rddreg [dreg:$0x2]  }
0x4: {  	s0 =	rddreg [dreg:$0x3];
	s3 =	simm.s32 $0x0;
	s6 =	srdreg.scid  }
0x5: {  	s2 =	stileid.u32;
	s10 =	simm.s32 $0x80;
	s11 =	simm.s32 $0x8000  }
0x6: {  	s12 =	simm.s32 $0x48;
	s13 =	simm.s32 $0xC000;
	s14 =	simm.s32 $0xE400  }
0x7: {  	s15 =	simm.s32 $0x12400;
	s16 =	simm.s32 $0x1;
	s17 =	simm.s32 $0x2  }
0x8: {  	s18 =	simm.s32 $0x14800;
	s19 =	simm.s32 $0x0;
	s6 =	sand.u32 $0x1, s6  }
0x9: {  	s7 =	sshll.u32 s2, $0xC;
	s8 =	sshll.u32 s6, $0xB;
	s6 =	ssub.s32 $0x2, s6  }
0xa: {  	[smem:$0x7FF] =	sst s3;
	s7 =	sor.u32 s8, s7;
	s31 =	sshrl.u32 s6, $0x1  }
0xb: {  	_ =	strace $0x80000047;
	s9 =	sadd.s32 s7, s5;
	s8 =	ssub.s32 s6, s31  }
0xc: {  	s4 =	sadd.s32 s4, s7;
	s5 =	sadd.s32 $0x1200, s9;
	s6 =	sadd.s32 $0x11200, s9  }
0xd: {  	s7 =	smax.u32 s8, $0x1;
	s8 =	simm.s32 $0x3;
	s9 =	simm.s32 $0x4000  }
.LBB2_1:
0xe: {  	[tilespmem:s3], [sflag:$0x3] =	stream.linear.gather [hbm4b:s4+s3], $0x4000, $0x38;
	[tilespmem:$0x18800] =	vst v63  }
0xf: {  	_ =	swait.ge [sflag:s8], $0x4000  }
0x10: {  	[sflag:s8] =	ssyncset.done $0x0  }
0x11: {  	[sflag:s8] =	ssyncadd.s32 $0xFFFFC000  }
0x12: {  	[tilespmem:s9], [sflag:$0x3] =	stream.linear.gather [hbm4b:s5+s3], $0x4000, $0x38;
	[tilespmem:$0x18800] =	vst v63  }
0x13: {  	_ =	swait.ge [sflag:s8], $0x4000  }
0x14: {  	[sflag:s8] =	ssyncset.done $0x0  }
0x15: {  	[sflag:s8] =	ssyncadd.s32 $0xFFFFC000  }
0x16: {  	[tilespmem:s11], [sflag:$0x1] =	stream.indirect.gather [hbm4b:s1+s10], $0x80, s3, s10, $0xb8;
	[tilespmem:$0x18800] =	vst v63  }
0x17: {  	s20 =	simm.s32 $0x0  }
0x18: {  	[tilespmem:s13], [sflag:$0x1] =	stream.indirect.gather [hbm4b:s1+s12], $0x80, s9, s12, $0xb8;
	[tilespmem:$0x18800] =	vst v63  }
.LBB2_2:
0x19: {  	s21 =	sshll.u32 s20, $0x8  }
0x1a: {  	s22 =	sor.u32 $0x80, s21  }
0x1b: {  	[tilespmem:s14], [sflag:$0x2] =	stream.indirect.gather [hbm4b:s1+s10], $0x80, s22, s10, $0xb8;
	[tilespmem:$0x18800] =	vst v63  }
0x1c: {  	s23 =	sadd.s32 $0x4080, s21  }
0x1d: {  	[tilespmem:s15], [sflag:$0x2] =	stream.indirect.gather [hbm4b:s1+s12], $0x80, s23, s12, $0xb8;
	[tilespmem:$0x18800] =	vst v63  }
0x1e: {  	_ =	swait.ge [sflag:s16], $0x4000  }
0x1f: {  	[sflag:s16] =	ssyncset.done $0x0  }
0x20: {  	[sflag:s16] =	ssyncadd.s32 $0xFFFFC000  }
0x21: {  	_ =	swait.ge [sflag:s16], $0x2400  }
0x22: {  	[sflag:s16] =	ssyncset.done $0x0  }
0x23: {  	s25 =	simm.s32 $0x0;
	[sflag:s16] =	ssyncadd.s32 $0xFFFFDC00  }
0x24: {  	v0 =	vld [tilespmem:s25+$0x8070]  }
0x25: {  	v2 =	vld [tilespmem:s25+$0x8000]  }
0x26: {  	v3 =	vld [tilespmem:s25+$0x8010]  }
0x27: {  	v12 =	vld [tilespmem:s25+$0x8020]  }
0x28: {  	v10 =	vld [tilespmem:s25+$0x8030]  }
0x29: {  	v1 =	vimm.f32 $0.0e+00;
	v6 =	vimm.f32 $0.0e+00;
	v7 =	vld [tilespmem:s25+$0x8040]  }
0x2a: {  	v9 =	vimm.f32 $0.0e+00;
	v8 =	vld [tilespmem:s25+$0x8050];
	v0 =	vadd.f32 v0, v1;
	v5 =	vadd.f32 v2, v1  }
0x2b: {  	s24 =	simm.s32 $0x400;
	s23 =	simm.s32 $0x80;
	v11 =	vld [tilespmem:s25+$0x8060];
	v4 =	vadd.f32 v3, v1;
	v3 =	vimm.f32 $0.0e+00;
	v2 =	vimm.f32 $0.0e+00  }
.LBB2_3:
0x2c: {  	p0 =	sne.s32 s24, $0xC600;
	v13 =	vld [tilespmem:s23+$0x8070];
	v1 =	vadd.f32 v12, v1  }
0x2d: {  	v14 =	vld [tilespmem:s23+$0x8000];
	v6 =	vadd.f32 v10, v6  }
0x2e: {  	v15 =	vld [tilespmem:s23+$0x8010];
	v9 =	vadd.f32 v7, v9  }
.Ltmp0:
0x2f: {  	v12 =	vld [tilespmem:s23+$0x8020];
	v3 =	vadd.f32 v8, v3;
	(pc) =	sbr.rel @p0 .LBB2_3-.Ltmp0, $4  }
0x30: {  	v10 =	vld [tilespmem:s23+$0x8030];
	v2 =	vadd.f32 v11, v2  }
0x31: {  	v7 =	vld [tilespmem:s23+$0x8040];
	v0 =	vadd.f32 v13, v0  }
0x32: {  	v5 =	vadd.f32 v14, v5;
	v8 =	vld [tilespmem:s23+$0x8050]  }
0x33: {  	v4 =	vadd.f32 v15, v4;
	v11 =	vld [tilespmem:s23+$0x8060];
	s23 =	sshra.s32 s24, $0x2;
	s24 =	sadd.s32 $0x200, s24  }
0x34: {  	v13 =	vld [tilespmem:s23+$0x8000]  }
0x35: {  	v14 =	vld [tilespmem:s23+$0x8010]  }
0x36: {  	v15 =	vld [tilespmem:s23+$0x8020]  }
0x37: {  	v1 =	vadd.f32 v12, v1;
	v12 =	vld [tilespmem:s23+$0x8050]  }
0x38: {  	v16 =	vld [tilespmem:s23+$0x8030]  }
0x39: {  	v17 =	vld [tilespmem:s23+$0x8040];
	v7 =	vadd.f32 v7, v9;
	v5 =	vadd.f32 v13, v5  }
0x3a: {  	v9 =	vld [tilespmem:s23+$0x8070];
	v3 =	vadd.f32 v8, v3;
	v4 =	vadd.f32 v14, v4  }
0x3b: {  	v6 =	vadd.f32 v10, v6;
	v10 =	vld [tilespmem:s23+$0x8060];
	v1 =	vadd.f32 v15, v1;
	v5 =	vmul.f32 $4.999999890e-03, v5  }
0x3c: {  	v3 =	vadd.f32 v12, v3;
	v4 =	vmul.f32 $4.999999890e-03, v4  }
0x3d: {  	v6 =	vadd.f32 v16, v6;
	v1 =	vmul.f32 $4.999999890e-03, v1;
	[tilespmem:s21+$0x14800] =	vst v5  }
0x3e: {  	v2 =	vadd.f32 v11, v2;
	v7 =	vadd.f32 v17, v7;
	v3 =	vmul.f32 $4.999999890e-03, v3;
	[tilespmem:s21+$0x14810] =	vst v4  }
0x3f: {  	v0 =	vadd.f32 v9, v0;
	v4 =	vmul.f32 $4.999999890e-03, v6;
	[tilespmem:s21+$0x14820] =	vst v1  }
0x40: {  	v2 =	vadd.f32 v10, v2;
	v1 =	vmul.f32 $4.999999890e-03, v7;
	[tilespmem:s21+$0x14850] =	vst v3  }
0x41: {  	v0 =	vmul.f32 $4.999999890e-03, v0;
	[tilespmem:s21+$0x14830] =	vst v4  }
0x42: {  	[tilespmem:s21+$0x14840] =	vst v1;
	v1 =	vmul.f32 $4.999999890e-03, v2  }
0x43: {  	p0 =	seq.s32 s20, $0x3F;
	[tilespmem:s21+$0x14870] =	vst v0  }
0x44: {  	s24 =	simm.s32 @!p0 $0x80;
	s25 =	simm.s32 @!p0 $0x8000;
	s23 =	sadd.s32 @!p0 $0x100, s21;
	[tilespmem:s21+$0x14860] =	vst v1  }
0x45: {  	[tilespmem:s25], [sflag:$0x1] =	stream.indirect.gather @!p0 [hbm4b:s1+s24], $0x80, s23, s24, $0xb8;
	[tilespmem:$0x18800] =	vst v63  }
0x46: {  	s23 =	sadd.s32 @!p0 $0x4100, s21;
	s24 =	simm.s32 @!p0 $0x48;
	s25 =	simm.s32 @!p0 $0xC000  }
0x47: {  	[tilespmem:s25], [sflag:$0x1] =	stream.indirect.gather @!p0 [hbm4b:s1+s24], $0x80, s23, s24, $0xb8;
	[tilespmem:$0x18800] =	vst v63  }
0x48: {  	_ =	swait.ge [sflag:s17], $0x4000  }
0x49: {  	[sflag:s17] =	ssyncset.done $0x0  }
0x4a: {  	[sflag:s17] =	ssyncadd.s32 $0xFFFFC000  }
0x4b: {  	_ =	swait.ge [sflag:s17], $0x2400  }
0x4c: {  	[sflag:s17] =	ssyncset.done $0x0  }
0x4d: {  	s31 =	simm.s32 $0x0;
	[sflag:s17] =	ssyncadd.s32 $0xFFFFDC00  }
0x4e: {  	v0 =	vld [tilespmem:s31+$0xE470]  }
0x4f: {  	v2 =	vld [tilespmem:s31+$0xE400]  }
0x50: {  	v3 =	vld [tilespmem:s31+$0xE410]  }
0x51: {  	v12 =	vld [tilespmem:s31+$0xE420]  }
0x52: {  	v10 =	vld [tilespmem:s31+$0xE430]  }
0x53: {  	v9 =	vimm.f32 $0.0e+00;
	v1 =	vimm.f32 $0.0e+00;
	v7 =	vld [tilespmem:s31+$0xE440]  }
0x54: {  	v6 =	vimm.f32 $0.0e+00;
	v8 =	vld [tilespmem:s31+$0xE450];
	v0 =	vadd.f32 v0, v1;
	v5 =	vadd.f32 v2, v1  }
0x55: {  	s23 =	simm.s32 $0x80;
	s24 =	simm.s32 $0x400;
	v11 =	vld [tilespmem:s31+$0xE460];
	v4 =	vadd.f32 v3, v1;
	v3 =	vimm.f32 $0.0e+00;
	v2 =	vimm.f32 $0.0e+00  }
.LBB2_5:
0x56: {  	p0 =	sne.s32 s24, $0xC600;
	v13 =	vld [tilespmem:s23+$0xE470];
	v1 =	vadd.f32 v12, v1  }
0x57: {  	v14 =	vld [tilespmem:s23+$0xE400];
	v6 =	vadd.f32 v10, v6  }
0x58: {  	v15 =	vld [tilespmem:s23+$0xE410];
	v9 =	vadd.f32 v7, v9  }
.Ltmp1:
0x59: {  	v12 =	vld [tilespmem:s23+$0xE420];
	v3 =	vadd.f32 v8, v3;
	(pc) =	sbr.rel @p0 .LBB2_5-.Ltmp1, $4  }
0x5a: {  	v10 =	vld [tilespmem:s23+$0xE430];
	v2 =	vadd.f32 v11, v2  }
0x5b: {  	v7 =	vld [tilespmem:s23+$0xE440];
	v0 =	vadd.f32 v13, v0  }
0x5c: {  	v5 =	vadd.f32 v14, v5;
	v8 =	vld [tilespmem:s23+$0xE450]  }
0x5d: {  	v4 =	vadd.f32 v15, v4;
	v11 =	vld [tilespmem:s23+$0xE460];
	s23 =	sshra.s32 s24, $0x2;
	s24 =	sadd.s32 $0x200, s24  }
0x5e: {  	v13 =	vld [tilespmem:s23+$0xE400]  }
0x5f: {  	v14 =	vld [tilespmem:s23+$0xE410]  }
0x60: {  	v15 =	vld [tilespmem:s23+$0xE420]  }
0x61: {  	v16 =	vld [tilespmem:s23+$0xE430]  }
0x62: {  	v17 =	vld [tilespmem:s23+$0xE440]  }
0x63: {  	v1 =	vadd.f32 v12, v1;
	v58 =	vld [tilespmem:s23+$0xE450];
	v5 =	vadd.f32 v13, v5  }
0x64: {  	v59 =	vld [tilespmem:s23+$0xE460];
	v6 =	vadd.f32 v10, v6;
	v4 =	vadd.f32 v14, v4  }
0x65: {  	v60 =	vld [tilespmem:s23+$0xE470];
	v7 =	vadd.f32 v7, v9;
	v1 =	vadd.f32 v15, v1;
	v5 =	vmul.f32 $4.999999890e-03, v5  }
0x66: {  	v3 =	vadd.f32 v8, v3;
	v6 =	vadd.f32 v16, v6;
	v4 =	vmul.f32 $4.999999890e-03, v4  }
0x67: {  	v2 =	vadd.f32 v11, v2;
	v7 =	vadd.f32 v17, v7;
	v1 =	vmul.f32 $4.999999890e-03, v1;
	[tilespmem:s22+$0x14800] =	vst v5  }
0x68: {  	s20 =	sadd.s32 $0x1, s20;
	v3 =	vadd.f32 v58, v3;
	v61 =	vmul.f32 $4.999999890e-03, v6;
	[tilespmem:s21+$0x14890] =	vst v4  }
0x69: {  	p0 =	sne.s32 s20, $0x40;
	v2 =	vadd.f32 v59, v2;
	v62 =	vmul.f32 $4.999999890e-03, v7;
	[tilespmem:s21+$0x148A0] =	vst v1  }
.Ltmp2:
0x6a: {  	v0 =	vadd.f32 v60, v0;
	v3 =	vmul.f32 $4.999999890e-03, v3;
	[tilespmem:s21+$0x148B0] =	vst v61;
	(pc) =	sbr.rel @p0 .LBB2_2-.Ltmp2, $4  }
0x6b: {  	v63 =	vmul.f32 $4.999999890e-03, v2;
	[tilespmem:s21+$0x148C0] =	vst v62  }
0x6c: {  	v0 =	vmul.f32 $4.999999890e-03, v0;
	[tilespmem:s21+$0x148D0] =	vst v3  }
0x6d: {  	[tilespmem:s21+$0x148E0] =	vst v63  }
0x6e: {  	[tilespmem:s21+$0x148F0] =	vst v0  }
0x6f: {  	s19 =	sadd.s32 $0x1, s19  }
0x70: {  	p0 =	sne.s32 s19, s7  }
.Ltmp3:
0x71: {  	_ = 	snop;
	(pc) =	sbr.rel @p0 .LBB2_1-.Ltmp3, $4  }
0x72: {  	[hbm4b:s6+s3] =	stream.linear.scatter [tilespmem:s18], [sflag:$0x3], $0x4000, $0x38;
	[tilespmem:$0x18800] =	vst v63  }
0x73: {  	_ =	swait.ge [sflag:s8], $0x4000  }
0x74: {  	[sflag:s8] =	ssyncset.done $0x0  }
0x75: {  	[sflag:s8] =	ssyncadd.s32 $0xFFFFC000  }
0x76: {  	_ =	sfence.sel $0x180000  }
0x77: {  	[bflag:$0x0] =	sbarrier.arrive $0xFFFF  }
0x78: {  	p0 =	sne.s32 s2, $0x0;
	_ =	strace $0x90000047  }
0x79: {  	s0 =	sadd.s32 @!p0 $0x100000, s0;
	[bflag:$0x2] =	sbarrier.arrive $0xFFFF  }
0x7a: {  	[sflag:s0] =	ssyncadd.tile.s32 @!p0 $0x1;
	_ =	shalt  }
.Lfunc_end2:
_tile_overlayer_lowered:
.L_overlay_start_2:
0x7b: {  	(tag) =	ssettag $0x2  }
0x7c: {  	s0 =	rddreg [dreg:$0x0];
	s2 =	stileid.u32  }
0x7d: {  	s1 =	rddreg [dreg:$0x1];
	p0 =	sne.s32 s2, $0x0  }
0x7e: {  	s3 =	rddreg [dreg:$0x2];
	[bflag:$0x3] =	sbarrier.arrive $0xFFFF;
	s2 =	simm.s32 @!p0 $0x1C03  }
0x7f: {  	[timem:s3], [sflag:s2] =	dma.local @!p0 [hbm:s0], s1  }
0x80: {  	s0 =	simm.s32 @!p0 $0x3  }
0x81: {  	_ =	swait.ge @!p0 [sflag:s0], s1  }
0x82: {  	s1 =	ssub.s32 @!p0 $0x0, s1;
	[sflag:s0] =	ssyncset.done @!p0 $0x0  }
0x83: {  	[sflag:s0] =	ssyncadd.s32 @!p0 s1  }
0x84: {  	[bflag:$0x3] =	sbarrier.arrive $0xFFFF  }
0x85: {  	_ =	shalt  }

</sc_bundles>
